<compile_context>
chip_gen: v7x
topology: tpu7x:2x2x1
jax: 0.10.2.dev20260603
libtpu: 0.0.44.dev20260713+nightly
codegen_flags: <defaults>
</compile_context>

<pallas_src>
import functools

import jax
import jax.numpy as jnp
from jax import lax
from jax.experimental import pallas as pl
from jax.experimental.pallas import tpu as pltpu
from jax.experimental.pallas import tpu_sc as plsc

NUM_NODES = 64
NUM_INPUTS = 8
NUM_EDGES = 256
N_HIDDEN = NUM_NODES - NUM_INPUTS
A_LEN = N_HIDDEN * NUM_INPUTS
LANES = 16
TILE = 65536


def _sc_edge_aggregate_body(src_hbm, dst_hbm, w_hbm, a_hbm,
                            src_v, dst_v, w_v, key_lo, key_hi, a_v, shared,
                            sem0, sem1, sem2):
    cid = lax.axis_index("c")
    sid = lax.axis_index("s")

    @pl.when(jnp.logical_and(cid == 0, sid == 0))
    def _():
        cp0 = pltpu.async_copy(src_hbm, src_v, sem0)
        cp1 = pltpu.async_copy(dst_hbm, dst_v, sem1)
        cp2 = pltpu.async_copy(w_hbm, w_v, sem2)

        zeros16 = jnp.zeros((LANES,), jnp.float32)
        for c in range(A_LEN // LANES):
            a_v[pl.ds(c * LANES, LANES)] = zeros16
        pltpu.sync_copy(a_v, shared)

        cp0.wait()
        cp1.wait()
        cp2.wait()

        for c in range(NUM_EDGES // LANES):
            s16 = src_v[pl.ds(c * LANES, LANES)]
            d16 = dst_v[pl.ds(c * LANES, LANES)]
            k16 = (d16 - NUM_INPUTS) * NUM_INPUTS + s16
            if c < 8:
                key_lo[pl.ds(c * LANES, LANES)] = k16
            else:
                key_hi[pl.ds((c - 8) * LANES, LANES)] = k16

        cps0 = pltpu.async_copy(w_v.at[pl.ds(0, 128)], shared.at[key_lo],
                                sem0, add=True)
        cps1 = pltpu.async_copy(w_v.at[pl.ds(128, 128)], shared.at[key_hi],
                                sem1, add=True)
        cps0.wait()
        cps1.wait()
        pltpu.sync_copy(shared, a_hbm)


_sc_edge_aggregate = functools.partial(
    pl.kernel,
    mesh=plsc.VectorSubcoreMesh(core_axis_name="c", subcore_axis_name="s",
                                num_cores=1),
    out_type=jax.ShapeDtypeStruct((A_LEN,), jnp.float32),
    scratch_types=[
        pltpu.VMEM((NUM_EDGES,), jnp.int32),
        pltpu.VMEM((NUM_EDGES,), jnp.int32),
        pltpu.VMEM((NUM_EDGES,), jnp.float32),
        pltpu.VMEM((128,), jnp.int32),
        pltpu.VMEM((128,), jnp.int32),
        pltpu.VMEM((A_LEN,), jnp.float32),
        pltpu.VMEM_SHARED((A_LEN,), jnp.float32),
        pltpu.SemaphoreType.DMA,
        pltpu.SemaphoreType.DMA,
        pltpu.SemaphoreType.DMA,
    ],
)(_sc_edge_aggregate_body)


def _tc_dense_kernel(a_ref, loss_ref, prev_ref, params_ref, out_ref):
    feat = jnp.concatenate([loss_ref[:], prev_ref[:], params_ref[:]], axis=0)
    out_ref[:] = jnp.dot(a_ref[:], feat, preferred_element_type=jnp.float32)


@jax.jit
def kernel(loss, prev_loss, params, weights, edge_src, edge_dst):
    n = loss.shape[0]
    a_flat = _sc_edge_aggregate(edge_src, edge_dst, weights)
    a = a_flat.reshape(N_HIDDEN, NUM_INPUTS)

    grid = (n // TILE,)
    out = pl.pallas_call(
        _tc_dense_kernel,
        grid=grid,
        in_specs=[
            pl.BlockSpec((N_HIDDEN, NUM_INPUTS), lambda i: (0, 0)),
            pl.BlockSpec((1, TILE), lambda i: (0, i)),
            pl.BlockSpec((1, TILE), lambda i: (0, i)),
            pl.BlockSpec((6, TILE), lambda i: (0, i)),
        ],
        out_specs=pl.BlockSpec((N_HIDDEN, TILE), lambda i: (0, i)),
        out_shape=jax.ShapeDtypeStruct((N_HIDDEN, n), jnp.float32),
        compiler_params=pltpu.CompilerParams(
            dimension_semantics=("arbitrary",)),
    )(a, loss[None, :], prev_loss[None, :], params)
    return out

# --- scband reference (transcript-rebuilt; emitter-appended) ---
"""Pipeline reference for scband-dynamic-optimizer-module-16295105921343 (READ-ONLY COPY).

The authoritative reference and input builder live on the scoring server;
editing this copy changes nothing except your own understanding.
"""

import jax, jax.numpy as jnp
import numpy as np

NUM_NODES = 64
NUM_INPUTS = 8   # loss + prev_loss + 6 params
NUM_PARAMS = 6
NUM_EDGES = 256
N = 262144       # per-node feature length (flattened parameter size)


def setup_inputs(seed: int = 0) -> dict:
    key = jax.random.key(seed)
    k1, k2, k3, k4 = jax.random.split(key, 4)
    loss = jax.random.normal(k1, (N,), dtype=jnp.float32)
    prev_loss = jax.random.normal(k2, (N,), dtype=jnp.float32)
    params = jax.random.normal(k3, (NUM_PARAMS, N), dtype=jnp.float32)
    # learned per-edge scalar weights (nn.ParameterList in the torch module)
    weights = jax.random.normal(k4, (NUM_EDGES,), dtype=jnp.float32)
    # static genome connectivity: src indexes the stacked input features (<NUM_INPUTS),
    # dst indexes graph nodes (hidden nodes live in [NUM_INPUTS, NUM_NODES))
    rng = np.random.default_rng(0)
    edge_src = jnp.asarray(rng.integers(0, NUM_INPUTS, size=NUM_EDGES), dtype=jnp.int32)
    edge_dst = jnp.asarray(rng.integers(NUM_INPUTS, NUM_NODES, size=NUM_EDGES), dtype=jnp.int32)
    return {"loss": loss, "prev_loss": prev_loss, "params": params,
            "weights": weights, "edge_src": edge_src, "edge_dst": edge_dst}


def reference(loss, prev_loss, params, weights, edge_src, edge_dst):
    # features = torch.stack([loss, prev_loss] + params, 0)
    features = jnp.concatenate([loss[None, :], prev_loss[None, :], params], axis=0)  # [NUM_INPUTS, N]
    # per-edge message: features[src] * w, accumulated into out_feats[dst]
    msgs = jnp.take(features, edge_src, axis=0) * weights[:, None]                   # [E, N] gather
    out_feats = jnp.zeros((NUM_NODES, loss.shape[0]), dtype=loss.dtype)
    out_feats = out_feats.at[edge_dst].add(msgs)                                     # scatter-add
    # all_outputs[0]=loss, [1]=prev_loss, [2:2+P]=params (input pass-through)
    all_outputs = out_feats.at[0].set(loss).at[1].set(prev_loss)
    all_outputs = all_outputs.at[2:2 + params.shape[0]].set(params)
    # output_keys = range(NUM_INPUTS, NUM_NODES): the dict values, stacked
    output_keys = jnp.arange(NUM_INPUTS, NUM_NODES)
    return jnp.take(all_outputs, output_keys, axis=0)


if False:  # reference __main__ guard neutralized (emitter)
    out = reference(**setup_inputs())
    print(out.shape)

if __name__ == "__main__":
    import jax
    _d = setup_inputs()
    print(jax.jit(kernel)(*tuple(_d.values())))

</pallas_src>

<mosaic_0001>
#map = affine_map<(d0, d1) -> (0)>
module attributes {stable_mosaic.version = 14 : i64} {
  func.func @_sc_edge_aggregate_body(%arg0: i32, %arg1: i32, %arg2: memref<256xi32, #tpu.memory_space<hbm>>, %arg3: memref<256xi32, #tpu.memory_space<hbm>>, %arg4: memref<256xf32, #tpu.memory_space<hbm>>, %arg5: memref<448xf32, #tpu.memory_space<hbm>>, %arg6: memref<256xi32, #tpu.memory_space<vmem>>, %arg7: memref<256xi32, #tpu.memory_space<vmem>>, %arg8: memref<256xf32, #tpu.memory_space<vmem>>, %arg9: memref<128xi32, #tpu.memory_space<vmem>>, %arg10: memref<128xi32, #tpu.memory_space<vmem>>, %arg11: memref<448xf32, #tpu.memory_space<vmem>>, %arg12: memref<448xf32, #tpu.memory_space<vmem_shared>>, %arg13: memref<!tpu.dma_semaphore, #tpu.memory_space<semaphore_mem>>, %arg14: memref<!tpu.dma_semaphore, #tpu.memory_space<semaphore_mem>>, %arg15: memref<!tpu.dma_semaphore, #tpu.memory_space<semaphore_mem>>) attributes {dimension_semantics = [#tpu.dimension_semantics<core_parallel>, #tpu.dimension_semantics<subcore_parallel>], iteration_bounds = array<i64: 1, 16>, scalar_prefetch = 0 : i64, scratch_operands = 10 : i64, tpu.core_type = #tpu.core_type<sc_vector_subcore>, window_params = [{transform_indices = #map}, {transform_indices = #map}, {transform_indices = #map}, {transform_indices = #map}]} {
    %eq3A = arith.constant 0 : i32
    %eq3A_0 = arith.cmpi eq, %arg0, %eq3A : i32
    %eq3A_1 = arith.constant 0 : i32
    %eq3A_2 = arith.cmpi eq, %arg1, %eq3A_1 : i32
    %and3A = arith.andi %eq3A_0, %eq3A_2 : i1
    %convert_element_type3A = arith.extui %and3A : i1 to i32
    %cond3A = arith.constant 0 : i32
    %cond3A_3 = arith.cmpi ne, %convert_element_type3A, %cond3A : i32
    scf.if %cond3A_3 {
      tpu.enqueue_dma source(%arg2 : memref<256xi32, #tpu.memory_space<hbm>>) target(%arg6 : memref<256xi32, #tpu.memory_space<vmem>>) target_semaphore(%arg13 : memref<!tpu.dma_semaphore, #tpu.memory_space<semaphore_mem>>)
      tpu.enqueue_dma source(%arg3 : memref<256xi32, #tpu.memory_space<hbm>>) target(%arg7 : memref<256xi32, #tpu.memory_space<vmem>>) target_semaphore(%arg14 : memref<!tpu.dma_semaphore, #tpu.memory_space<semaphore_mem>>)
      tpu.enqueue_dma source(%arg4 : memref<256xf32, #tpu.memory_space<hbm>>) target(%arg8 : memref<256xf32, #tpu.memory_space<vmem>>) target_semaphore(%arg15 : memref<!tpu.dma_semaphore, #tpu.memory_space<semaphore_mem>>)
      %broadcast_in_dim3A = arith.constant 0.000000e+00 : f32
      %broadcast_in_dim3A_4 = vector.broadcast %broadcast_in_dim3A : f32 to vector<16xf32>
      %swap3A = arith.constant 0 : index
      %swap3A_5 = tpu.vector_load %arg11[%swap3A] {strides = array<i32>} : memref<448xf32, #tpu.memory_space<vmem>>, vector<16xf32>,
      %swap3A_6 = vector.shape_cast %swap3A_5 : vector<16xf32> to vector<16xf32>
      %swap3A_7 = vector.shape_cast %broadcast_in_dim3A_4 : vector<16xf32> to vector<16xf32>
      tpu.vector_store %arg11[%swap3A], %swap3A_7 {strides = array<i32>} : memref<448xf32, #tpu.memory_space<vmem>>, vector<16xf32>,
      %swap3A_8 = arith.constant 16 : index
      %swap3A_9 = tpu.vector_load %arg11[%swap3A_8] {strides = array<i32>} : memref<448xf32, #tpu.memory_space<vmem>>, vector<16xf32>,
      %swap3A_10 = vector.shape_cast %swap3A_9 : vector<16xf32> to vector<16xf32>
      %swap3A_11 = vector.shape_cast %broadcast_in_dim3A_4 : vector<16xf32> to vector<16xf32>
      tpu.vector_store %arg11[%swap3A_8], %swap3A_11 {strides = array<i32>} : memref<448xf32, #tpu.memory_space<vmem>>, vector<16xf32>,
      %swap3A_12 = arith.constant 32 : index
      %swap3A_13 = tpu.vector_load %arg11[%swap3A_12] {strides = array<i32>} : memref<448xf32, #tpu.memory_space<vmem>>, vector<16xf32>,
      %swap3A_14 = vector.shape_cast %swap3A_13 : vector<16xf32> to vector<16xf32>
      %swap3A_15 = vector.shape_cast %broadcast_in_dim3A_4 : vector<16xf32> to vector<16xf32>
      tpu.vector_store %arg11[%swap3A_12], %swap3A_15 {strides = array<i32>} : memref<448xf32, #tpu.memory_space<vmem>>, vector<16xf32>,
      %swap3A_16 = arith.constant 48 : index
      %swap3A_17 = tpu.vector_load %arg11[%swap3A_16] {strides = array<i32>} : memref<448xf32, #tpu.memory_space<vmem>>, vector<16xf32>,
      %swap3A_18 = vector.shape_cast %swap3A_17 : vector<16xf32> to vector<16xf32>
      %swap3A_19 = vector.shape_cast %broadcast_in_dim3A_4 : vector<16xf32> to vector<16xf32>
      tpu.vector_store %arg11[%swap3A_16], %swap3A_19 {strides = array<i32>} : memref<448xf32, #tpu.memory_space<vmem>>, vector<16xf32>,
      %swap3A_20 = arith.constant 64 : index
      %swap3A_21 = tpu.vector_load %arg11[%swap3A_20] {strides = array<i32>} : memref<448xf32, #tpu.memory_space<vmem>>, vector<16xf32>,
      %swap3A_22 = vector.shape_cast %swap3A_21 : vector<16xf32> to vector<16xf32>
      %swap3A_23 = vector.shape_cast %broadcast_in_dim3A_4 : vector<16xf32> to vector<16xf32>
      tpu.vector_store %arg11[%swap3A_20], %swap3A_23 {strides = array<i32>} : memref<448xf32, #tpu.memory_space<vmem>>, vector<16xf32>,
      %swap3A_24 = arith.constant 80 : index
      %swap3A_25 = tpu.vector_load %arg11[%swap3A_24] {strides = array<i32>} : memref<448xf32, #tpu.memory_space<vmem>>, vector<16xf32>,
      %swap3A_26 = vector.shape_cast %swap3A_25 : vector<16xf32> to vector<16xf32>
      %swap3A_27 = vector.shape_cast %broadcast_in_dim3A_4 : vector<16xf32> to vector<16xf32>
      tpu.vector_store %arg11[%swap3A_24], %swap3A_27 {strides = array<i32>} : memref<448xf32, #tpu.memory_space<vmem>>, vector<16xf32>,
      %swap3A_28 = arith.constant 96 : index
      %swap3A_29 = tpu.vector_load %arg11[%swap3A_28] {strides = array<i32>} : memref<448xf32, #tpu.memory_space<vmem>>, vector<16xf32>,
      %swap3A_30 = vector.shape_cast %swap3A_29 : vector<16xf32> to vector<16xf32>
      %swap3A_31 = vector.shape_cast %broadcast_in_dim3A_4 : vector<16xf32> to vector<16xf32>
      tpu.vector_store %arg11[%swap3A_28], %swap3A_31 {strides = array<i32>} : memref<448xf32, #tpu.memory_space<vmem>>, vector<16xf32>,
      %swap3A_32 = arith.constant 112 : index
      %swap3A_33 = tpu.vector_load %arg11[%swap3A_32] {strides = array<i32>} : memref<448xf32, #tpu.memory_space<vmem>>, vector<16xf32>,
      %swap3A_34 = vector.shape_cast %swap3A_33 : vector<16xf32> to vector<16xf32>
      %swap3A_35 = vector.shape_cast %broadcast_in_dim3A_4 : vector<16xf32> to vector<16xf32>
      tpu.vector_store %arg11[%swap3A_32], %swap3A_35 {strides = array<i32>} : memref<448xf32, #tpu.memory_space<vmem>>, vector<16xf32>,
      %swap3A_36 = arith.constant 128 : index
      %swap3A_37 = tpu.vector_load %arg11[%swap3A_36] {strides = array<i32>} : memref<448xf32, #tpu.memory_space<vmem>>, vector<16xf32>,
      %swap3A_38 = vector.shape_cast %swap3A_37 : vector<16xf32> to vector<16xf32>
      %swap3A_39 = vector.shape_cast %broadcast_in_dim3A_4 : vector<16xf32> to vector<16xf32>
      tpu.vector_store %arg11[%swap3A_36], %swap3A_39 {strides = array<i32>} : memref<448xf32, #tpu.memory_space<vmem>>, vector<16xf32>,
      %swap3A_40 = arith.constant 144 : index
      %swap3A_41 = tpu.vector_load %arg11[%swap3A_40] {strides = array<i32>} : memref<448xf32, #tpu.memory_space<vmem>>, vector<16xf32>,
      %swap3A_42 = vector.shape_cast %swap3A_41 : vector<16xf32> to vector<16xf32>
      %swap3A_43 = vector.shape_cast %broadcast_in_dim3A_4 : vector<16xf32> to vector<16xf32>
      tpu.vector_store %arg11[%swap3A_40], %swap3A_43 {strides = array<i32>} : memref<448xf32, #tpu.memory_space<vmem>>, vector<16xf32>,
      %swap3A_44 = arith.constant 160 : index
      %swap3A_45 = tpu.vector_load %arg11[%swap3A_44] {strides = array<i32>} : memref<448xf32, #tpu.memory_space<vmem>>, vector<16xf32>,
      %swap3A_46 = vector.shape_cast %swap3A_45 : vector<16xf32> to vector<16xf32>
      %swap3A_47 = vector.shape_cast %broadcast_in_dim3A_4 : vector<16xf32> to vector<16xf32>
      tpu.vector_store %arg11[%swap3A_44], %swap3A_47 {strides = array<i32>} : memref<448xf32, #tpu.memory_space<vmem>>, vector<16xf32>,
      %swap3A_48 = arith.constant 176 : index
      %swap3A_49 = tpu.vector_load %arg11[%swap3A_48] {strides = array<i32>} : memref<448xf32, #tpu.memory_space<vmem>>, vector<16xf32>,
      %swap3A_50 = vector.shape_cast %swap3A_49 : vector<16xf32> to vector<16xf32>
      %swap3A_51 = vector.shape_cast %broadcast_in_dim3A_4 : vector<16xf32> to vector<16xf32>
      tpu.vector_store %arg11[%swap3A_48], %swap3A_51 {strides = array<i32>} : memref<448xf32, #tpu.memory_space<vmem>>, vector<16xf32>,
      %swap3A_52 = arith.constant 192 : index
      %swap3A_53 = tpu.vector_load %arg11[%swap3A_52] {strides = array<i32>} : memref<448xf32, #tpu.memory_space<vmem>>, vector<16xf32>,
      %swap3A_54 = vector.shape_cast %swap3A_53 : vector<16xf32> to vector<16xf32>
      %swap3A_55 = vector.shape_cast %broadcast_in_dim3A_4 : vector<16xf32> to vector<16xf32>
      tpu.vector_store %arg11[%swap3A_52], %swap3A_55 {strides = array<i32>} : memref<448xf32, #tpu.memory_space<vmem>>, vector<16xf32>,
      %swap3A_56 = arith.constant 208 : index
      %swap3A_57 = tpu.vector_load %arg11[%swap3A_56] {strides = array<i32>} : memref<448xf32, #tpu.memory_space<vmem>>, vector<16xf32>,
      %swap3A_58 = vector.shape_cast %swap3A_57 : vector<16xf32> to vector<16xf32>
      %swap3A_59 = vector.shape_cast %broadcast_in_dim3A_4 : vector<16xf32> to vector<16xf32>
      tpu.vector_store %arg11[%swap3A_56], %swap3A_59 {strides = array<i32>} : memref<448xf32, #tpu.memory_space<vmem>>, vector<16xf32>,
      %swap3A_60 = arith.constant 224 : index
      %swap3A_61 = tpu.vector_load %arg11[%swap3A_60] {strides = array<i32>} : memref<448xf32, #tpu.memory_space<vmem>>, vector<16xf32>,
      %swap3A_62 = vector.shape_cast %swap3A_61 : vector<16xf32> to vector<16xf32>
      %swap3A_63 = vector.shape_cast %broadcast_in_dim3A_4 : vector<16xf32> to vector<16xf32>
      tpu.vector_store %arg11[%swap3A_60], %swap3A_63 {strides = array<i32>} : memref<448xf32, #tpu.memory_space<vmem>>, vector<16xf32>,
      %swap3A_64 = arith.constant 240 : index
      %swap3A_65 = tpu.vector_load %arg11[%swap3A_64] {strides = array<i32>} : memref<448xf32, #tpu.memory_space<vmem>>, vector<16xf32>,
      %swap3A_66 = vector.shape_cast %swap3A_65 : vector<16xf32> to vector<16xf32>
      %swap3A_67 = vector.shape_cast %broadcast_in_dim3A_4 : vector<16xf32> to vector<16xf32>
      tpu.vector_store %arg11[%swap3A_64], %swap3A_67 {strides = array<i32>} : memref<448xf32, #tpu.memory_space<vmem>>, vector<16xf32>,
      %swap3A_68 = arith.constant 256 : index
      %swap3A_69 = tpu.vector_load %arg11[%swap3A_68] {strides = array<i32>} : memref<448xf32, #tpu.memory_space<vmem>>, vector<16xf32>,
      %swap3A_70 = vector.shape_cast %swap3A_69 : vector<16xf32> to vector<16xf32>
      %swap3A_71 = vector.shape_cast %broadcast_in_dim3A_4 : vector<16xf32> to vector<16xf32>
      tpu.vector_store %arg11[%swap3A_68], %swap3A_71 {strides = array<i32>} : memref<448xf32, #tpu.memory_space<vmem>>, vector<16xf32>,
      %swap3A_72 = arith.constant 272 : index
      %swap3A_73 = tpu.vector_load %arg11[%swap3A_72] {strides = array<i32>} : memref<448xf32, #tpu.memory_space<vmem>>, vector<16xf32>,
      %swap3A_74 = vector.shape_cast %swap3A_73 : vector<16xf32> to vector<16xf32>
      %swap3A_75 = vector.shape_cast %broadcast_in_dim3A_4 : vector<16xf32> to vector<16xf32>
      tpu.vector_store %arg11[%swap3A_72], %swap3A_75 {strides = array<i32>} : memref<448xf32, #tpu.memory_space<vmem>>, vector<16xf32>,
      %swap3A_76 = arith.constant 288 : index
      %swap3A_77 = tpu.vector_load %arg11[%swap3A_76] {strides = array<i32>} : memref<448xf32, #tpu.memory_space<vmem>>, vector<16xf32>,
      %swap3A_78 = vector.shape_cast %swap3A_77 : vector<16xf32> to vector<16xf32>
      %swap3A_79 = vector.shape_cast %broadcast_in_dim3A_4 : vector<16xf32> to vector<16xf32>
      tpu.vector_store %arg11[%swap3A_76], %swap3A_79 {strides = array<i32>} : memref<448xf32, #tpu.memory_space<vmem>>, vector<16xf32>,
      %swap3A_80 = arith.constant 304 : index
      %swap3A_81 = tpu.vector_load %arg11[%swap3A_80] {strides = array<i32>} : memref<448xf32, #tpu.memory_space<vmem>>, vector<16xf32>,
      %swap3A_82 = vector.shape_cast %swap3A_81 : vector<16xf32> to vector<16xf32>
      %swap3A_83 = vector.shape_cast %broadcast_in_dim3A_4 : vector<16xf32> to vector<16xf32>
      tpu.vector_store %arg11[%swap3A_80], %swap3A_83 {strides = array<i32>} : memref<448xf32, #tpu.memory_space<vmem>>, vector<16xf32>,
      %swap3A_84 = arith.constant 320 : index
      %swap3A_85 = tpu.vector_load %arg11[%swap3A_84] {strides = array<i32>} : memref<448xf32, #tpu.memory_space<vmem>>, vector<16xf32>,
      %swap3A_86 = vector.shape_cast %swap3A_85 : vector<16xf32> to vector<16xf32>
      %swap3A_87 = vector.shape_cast %broadcast_in_dim3A_4 : vector<16xf32> to vector<16xf32>
      tpu.vector_store %arg11[%swap3A_84], %swap3A_87 {strides = array<i32>} : memref<448xf32, #tpu.memory_space<vmem>>, vector<16xf32>,
      %swap3A_88 = arith.constant 336 : index
      %swap3A_89 = tpu.vector_load %arg11[%swap3A_88] {strides = array<i32>} : memref<448xf32, #tpu.memory_space<vmem>>, vector<16xf32>,
      %swap3A_90 = vector.shape_cast %swap3A_89 : vector<16xf32> to vector<16xf32>
      %swap3A_91 = vector.shape_cast %broadcast_in_dim3A_4 : vector<16xf32> to vector<16xf32>
      tpu.vector_store %arg11[%swap3A_88], %swap3A_91 {strides = array<i32>} : memref<448xf32, #tpu.memory_space<vmem>>, vector<16xf32>,
      %swap3A_92 = arith.constant 352 : index
      %swap3A_93 = tpu.vector_load %arg11[%swap3A_92] {strides = array<i32>} : memref<448xf32, #tpu.memory_space<vmem>>, vector<16xf32>,
      %swap3A_94 = vector.shape_cast %swap3A_93 : vector<16xf32> to vector<16xf32>
      %swap3A_95 = vector.shape_cast %broadcast_in_dim3A_4 : vector<16xf32> to vector<16xf32>
      tpu.vector_store %arg11[%swap3A_92], %swap3A_95 {strides = array<i32>} : memref<448xf32, #tpu.memory_space<vmem>>, vector<16xf32>,
      %swap3A_96 = arith.constant 368 : index
      %swap3A_97 = tpu.vector_load %arg11[%swap3A_96] {strides = array<i32>} : memref<448xf32, #tpu.memory_space<vmem>>, vector<16xf32>,
      %swap3A_98 = vector.shape_cast %swap3A_97 : vector<16xf32> to vector<16xf32>
      %swap3A_99 = vector.shape_cast %broadcast_in_dim3A_4 : vector<16xf32> to vector<16xf32>
      tpu.vector_store %arg11[%swap3A_96], %swap3A_99 {strides = array<i32>} : memref<448xf32, #tpu.memory_space<vmem>>, vector<16xf32>,
      %swap3A_100 = arith.constant 384 : index
      %swap3A_101 = tpu.vector_load %arg11[%swap3A_100] {strides = array<i32>} : memref<448xf32, #tpu.memory_space<vmem>>, vector<16xf32>,
      %swap3A_102 = vector.shape_cast %swap3A_101 : vector<16xf32> to vector<16xf32>
      %swap3A_103 = vector.shape_cast %broadcast_in_dim3A_4 : vector<16xf32> to vector<16xf32>
      tpu.vector_store %arg11[%swap3A_100], %swap3A_103 {strides = array<i32>} : memref<448xf32, #tpu.memory_space<vmem>>, vector<16xf32>,
      %swap3A_104 = arith.constant 400 : index
      %swap3A_105 = tpu.vector_load %arg11[%swap3A_104] {strides = array<i32>} : memref<448xf32, #tpu.memory_space<vmem>>, vector<16xf32>,
      %swap3A_106 = vector.shape_cast %swap3A_105 : vector<16xf32> to vector<16xf32>
      %swap3A_107 = vector.shape_cast %broadcast_in_dim3A_4 : vector<16xf32> to vector<16xf32>
      tpu.vector_store %arg11[%swap3A_104], %swap3A_107 {strides = array<i32>} : memref<448xf32, #tpu.memory_space<vmem>>, vector<16xf32>,
      %swap3A_108 = arith.constant 416 : index
      %swap3A_109 = tpu.vector_load %arg11[%swap3A_108] {strides = array<i32>} : memref<448xf32, #tpu.memory_space<vmem>>, vector<16xf32>,
      %swap3A_110 = vector.shape_cast %swap3A_109 : vector<16xf32> to vector<16xf32>
      %swap3A_111 = vector.shape_cast %broadcast_in_dim3A_4 : vector<16xf32> to vector<16xf32>
      tpu.vector_store %arg11[%swap3A_108], %swap3A_111 {strides = array<i32>} : memref<448xf32, #tpu.memory_space<vmem>>, vector<16xf32>,
      %swap3A_112 = arith.constant 432 : index
      %swap3A_113 = tpu.vector_load %arg11[%swap3A_112] {strides = array<i32>} : memref<448xf32, #tpu.memory_space<vmem>>, vector<16xf32>,
      %swap3A_114 = vector.shape_cast %swap3A_113 : vector<16xf32> to vector<16xf32>
      %swap3A_115 = vector.shape_cast %broadcast_in_dim3A_4 : vector<16xf32> to vector<16xf32>
      tpu.vector_store %arg11[%swap3A_112], %swap3A_115 {strides = array<i32>} : memref<448xf32, #tpu.memory_space<vmem>>, vector<16xf32>,
      "tpu.region"() ({
        %run_scoped3A = tpu.sem_alloc : memref<!tpu.dma_semaphore, #tpu.memory_space<semaphore_mem>>
        tpu.enqueue_dma source(%arg11 : memref<448xf32, #tpu.memory_space<vmem>>) target(%arg12 : memref<448xf32, #tpu.memory_space<vmem_shared>>) target_semaphore(%run_scoped3A : memref<!tpu.dma_semaphore, #tpu.memory_space<semaphore_mem>>)
        tpu.wait_dma2 semaphore(%run_scoped3A : memref<!tpu.dma_semaphore, #tpu.memory_space<semaphore_mem>>) src(%arg11 : memref<448xf32, #tpu.memory_space<vmem>>) dst(%arg12 : memref<448xf32, #tpu.memory_space<vmem_shared>>)
        tpu.yield
      }) : () -> ()
      tpu.wait_dma2 semaphore(%arg13 : memref<!tpu.dma_semaphore, #tpu.memory_space<semaphore_mem>>) src(%arg2 : memref<256xi32, #tpu.memory_space<hbm>>) dst(%arg6 : memref<256xi32, #tpu.memory_space<vmem>>)
      tpu.wait_dma2 semaphore(%arg14 : memref<!tpu.dma_semaphore, #tpu.memory_space<semaphore_mem>>) src(%arg3 : memref<256xi32, #tpu.memory_space<hbm>>) dst(%arg7 : memref<256xi32, #tpu.memory_space<vmem>>)
      tpu.wait_dma2 semaphore(%arg15 : memref<!tpu.dma_semaphore, #tpu.memory_space<semaphore_mem>>) src(%arg4 : memref<256xf32, #tpu.memory_space<hbm>>) dst(%arg8 : memref<256xf32, #tpu.memory_space<vmem>>)
      %get3A = arith.constant 0 : index
      %get3A_116 = tpu.vector_load %arg6[%get3A] {strides = array<i32>} : memref<256xi32, #tpu.memory_space<vmem>>, vector<16xi32>,
      %get3A_117 = vector.shape_cast %get3A_116 : vector<16xi32> to vector<16xi32>
      %get3A_118 = arith.constant 0 : index
      %get3A_119 = tpu.vector_load %arg7[%get3A_118] {strides = array<i32>} : memref<256xi32, #tpu.memory_space<vmem>>, vector<16xi32>,
      %get3A_120 = vector.shape_cast %get3A_119 : vector<16xi32> to vector<16xi32>
      %sub3A = arith.constant 8 : i32
      %sub3A_121 = vector.broadcast %sub3A : i32 to vector<16xi32>
      %sub3A_122 = arith.subi %get3A_120, %sub3A_121 : vector<16xi32>
      %mul3A = arith.constant 8 : i32
      %mul3A_123 = vector.broadcast %mul3A : i32 to vector<16xi32>
      %mul3A_124 = arith.muli %sub3A_122, %mul3A_123 : vector<16xi32>
      %add3A = arith.addi %mul3A_124, %get3A_117 : vector<16xi32>
      %swap3A_125 = arith.constant 0 : index
      %swap3A_126 = tpu.vector_load %arg9[%swap3A_125] {strides = array<i32>} : memref<128xi32, #tpu.memory_space<vmem>>, vector<16xi32>,
      %swap3A_127 = vector.shape_cast %swap3A_126 : vector<16xi32> to vector<16xi32>
      %swap3A_128 = vector.shape_cast %add3A : vector<16xi32> to vector<16xi32>
      tpu.vector_store %arg9[%swap3A_125], %swap3A_128 {strides = array<i32>} : memref<128xi32, #tpu.memory_space<vmem>>, vector<16xi32>,
      %get3A_129 = arith.constant 16 : index
      %get3A_130 = tpu.vector_load %arg6[%get3A_129] {strides = array<i32>} : memref<256xi32, #tpu.memory_space<vmem>>, vector<16xi32>,
      %get3A_131 = vector.shape_cast %get3A_130 : vector<16xi32> to vector<16xi32>
      %get3A_132 = arith.constant 16 : index
      %get3A_133 = tpu.vector_load %arg7[%get3A_132] {strides = array<i32>} : memref<256xi32, #tpu.memory_space<vmem>>, vector<16xi32>,
      %get3A_134 = vector.shape_cast %get3A_133 : vector<16xi32> to vector<16xi32>
      %sub3A_135 = arith.constant 8 : i32
      %sub3A_136 = vector.broadcast %sub3A_135 : i32 to vector<16xi32>
      %sub3A_137 = arith.subi %get3A_134, %sub3A_136 : vector<16xi32>
      %mul3A_138 = arith.constant 8 : i32
      %mul3A_139 = vector.broadcast %mul3A_138 : i32 to vector<16xi32>
      %mul3A_140 = arith.muli %sub3A_137, %mul3A_139 : vector<16xi32>
      %add3A_141 = arith.addi %mul3A_140, %get3A_131 : vector<16xi32>
      %swap3A_142 = arith.constant 16 : index
      %swap3A_143 = tpu.vector_load %arg9[%swap3A_142] {strides = array<i32>} : memref<128xi32, #tpu.memory_space<vmem>>, vector<16xi32>,
      %swap3A_144 = vector.shape_cast %swap3A_143 : vector<16xi32> to vector<16xi32>
      %swap3A_145 = vector.shape_cast %add3A_141 : vector<16xi32> to vector<16xi32>
      tpu.vector_store %arg9[%swap3A_142], %swap3A_145 {strides = array<i32>} : memref<128xi32, #tpu.memory_space<vmem>>, vector<16xi32>,
      %get3A_146 = arith.constant 32 : index
      %get3A_147 = tpu.vector_load %arg6[%get3A_146] {strides = array<i32>} : memref<256xi32, #tpu.memory_space<vmem>>, vector<16xi32>,
      %get3A_148 = vector.shape_cast %get3A_147 : vector<16xi32> to vector<16xi32>
      %get3A_149 = arith.constant 32 : index
      %get3A_150 = tpu.vector_load %arg7[%get3A_149] {strides = array<i32>} : memref<256xi32, #tpu.memory_space<vmem>>, vector<16xi32>,
      %get3A_151 = vector.shape_cast %get3A_150 : vector<16xi32> to vector<16xi32>
      %sub3A_152 = arith.constant 8 : i32
      %sub3A_153 = vector.broadcast %sub3A_152 : i32 to vector<16xi32>
      %sub3A_154 = arith.subi %get3A_151, %sub3A_153 : vector<16xi32>
      %mul3A_155 = arith.constant 8 : i32
      %mul3A_156 = vector.broadcast %mul3A_155 : i32 to vector<16xi32>
      %mul3A_157 = arith.muli %sub3A_154, %mul3A_156 : vector<16xi32>
      %add3A_158 = arith.addi %mul3A_157, %get3A_148 : vector<16xi32>
      %swap3A_159 = arith.constant 32 : index
      %swap3A_160 = tpu.vector_load %arg9[%swap3A_159] {strides = array<i32>} : memref<128xi32, #tpu.memory_space<vmem>>, vector<16xi32>,
      %swap3A_161 = vector.shape_cast %swap3A_160 : vector<16xi32> to vector<16xi32>
      %swap3A_162 = vector.shape_cast %add3A_158 : vector<16xi32> to vector<16xi32>
      tpu.vector_store %arg9[%swap3A_159], %swap3A_162 {strides = array<i32>} : memref<128xi32, #tpu.memory_space<vmem>>, vector<16xi32>,
      %get3A_163 = arith.constant 48 : index
      %get3A_164 = tpu.vector_load %arg6[%get3A_163] {strides = array<i32>} : memref<256xi32, #tpu.memory_space<vmem>>, vector<16xi32>,
      %get3A_165 = vector.shape_cast %get3A_164 : vector<16xi32> to vector<16xi32>
      %get3A_166 = arith.constant 48 : index
      %get3A_167 = tpu.vector_load %arg7[%get3A_166] {strides = array<i32>} : memref<256xi32, #tpu.memory_space<vmem>>, vector<16xi32>,
      %get3A_168 = vector.shape_cast %get3A_167 : vector<16xi32> to vector<16xi32>
      %sub3A_169 = arith.constant 8 : i32
      %sub3A_170 = vector.broadcast %sub3A_169 : i32 to vector<16xi32>
      %sub3A_171 = arith.subi %get3A_168, %sub3A_170 : vector<16xi32>
      %mul3A_172 = arith.constant 8 : i32
      %mul3A_173 = vector.broadcast %mul3A_172 : i32 to vector<16xi32>
      %mul3A_174 = arith.muli %sub3A_171, %mul3A_173 : vector<16xi32>
      %add3A_175 = arith.addi %mul3A_174, %get3A_165 : vector<16xi32>
      %swap3A_176 = arith.constant 48 : index
      %swap3A_177 = tpu.vector_load %arg9[%swap3A_176] {strides = array<i32>} : memref<128xi32, #tpu.memory_space<vmem>>, vector<16xi32>,
      %swap3A_178 = vector.shape_cast %swap3A_177 : vector<16xi32> to vector<16xi32>
      %swap3A_179 = vector.shape_cast %add3A_175 : vector<16xi32> to vector<16xi32>
      tpu.vector_store %arg9[%swap3A_176], %swap3A_179 {strides = array<i32>} : memref<128xi32, #tpu.memory_space<vmem>>, vector<16xi32>,
      %get3A_180 = arith.constant 64 : index
      %get3A_181 = tpu.vector_load %arg6[%get3A_180] {strides = array<i32>} : memref<256xi32, #tpu.memory_space<vmem>>, vector<16xi32>,
      %get3A_182 = vector.shape_cast %get3A_181 : vector<16xi32> to vector<16xi32>
      %get3A_183 = arith.constant 64 : index
      %get3A_184 = tpu.vector_load %arg7[%get3A_183] {strides = array<i32>} : memref<256xi32, #tpu.memory_space<vmem>>, vector<16xi32>,
      %get3A_185 = vector.shape_cast %get3A_184 : vector<16xi32> to vector<16xi32>
      %sub3A_186 = arith.constant 8 : i32
      %sub3A_187 = vector.broadcast %sub3A_186 : i32 to vector<16xi32>
      %sub3A_188 = arith.subi %get3A_185, %sub3A_187 : vector<16xi32>
      %mul3A_189 = arith.constant 8 : i32
      %mul3A_190 = vector.broadcast %mul3A_189 : i32 to vector<16xi32>
      %mul3A_191 = arith.muli %sub3A_188, %mul3A_190 : vector<16xi32>
      %add3A_192 = arith.addi %mul3A_191, %get3A_182 : vector<16xi32>
      %swap3A_193 = arith.constant 64 : index
      %swap3A_194 = tpu.vector_load %arg9[%swap3A_193] {strides = array<i32>} : memref<128xi32, #tpu.memory_space<vmem>>, vector<16xi32>,
      %swap3A_195 = vector.shape_cast %swap3A_194 : vector<16xi32> to vector<16xi32>
      %swap3A_196 = vector.shape_cast %add3A_192 : vector<16xi32> to vector<16xi32>
      tpu.vector_store %arg9[%swap3A_193], %swap3A_196 {strides = array<i32>} : memref<128xi32, #tpu.memory_space<vmem>>, vector<16xi32>,
      %get3A_197 = arith.constant 80 : index
      %get3A_198 = tpu.vector_load %arg6[%get3A_197] {strides = array<i32>} : memref<256xi32, #tpu.memory_space<vmem>>, vector<16xi32>,
      %get3A_199 = vector.shape_cast %get3A_198 : vector<16xi32> to vector<16xi32>
      %get3A_200 = arith.constant 80 : index
      %get3A_201 = tpu.vector_load %arg7[%get3A_200] {strides = array<i32>} : memref<256xi32, #tpu.memory_space<vmem>>, vector<16xi32>,
      %get3A_202 = vector.shape_cast %get3A_201 : vector<16xi32> to vector<16xi32>
      %sub3A_203 = arith.constant 8 : i32
      %sub3A_204 = vector.broadcast %sub3A_203 : i32 to vector<16xi32>
      %sub3A_205 = arith.subi %get3A_202, %sub3A_204 : vector<16xi32>
      %mul3A_206 = arith.constant 8 : i32
      %mul3A_207 = vector.broadcast %mul3A_206 : i32 to vector<16xi32>
      %mul3A_208 = arith.muli %sub3A_205, %mul3A_207 : vector<16xi32>
      %add3A_209 = arith.addi %mul3A_208, %get3A_199 : vector<16xi32>
      %swap3A_210 = arith.constant 80 : index
      %swap3A_211 = tpu.vector_load %arg9[%swap3A_210] {strides = array<i32>} : memref<128xi32, #tpu.memory_space<vmem>>, vector<16xi32>,
      %swap3A_212 = vector.shape_cast %swap3A_211 : vector<16xi32> to vector<16xi32>
      %swap3A_213 = vector.shape_cast %add3A_209 : vector<16xi32> to vector<16xi32>
      tpu.vector_store %arg9[%swap3A_210], %swap3A_213 {strides = array<i32>} : memref<128xi32, #tpu.memory_space<vmem>>, vector<16xi32>,
      %get3A_214 = arith.constant 96 : index
      %get3A_215 = tpu.vector_load %arg6[%get3A_214] {strides = array<i32>} : memref<256xi32, #tpu.memory_space<vmem>>, vector<16xi32>,
      %get3A_216 = vector.shape_cast %get3A_215 : vector<16xi32> to vector<16xi32>
      %get3A_217 = arith.constant 96 : index
      %get3A_218 = tpu.vector_load %arg7[%get3A_217] {strides = array<i32>} : memref<256xi32, #tpu.memory_space<vmem>>, vector<16xi32>,
      %get3A_219 = vector.shape_cast %get3A_218 : vector<16xi32> to vector<16xi32>
      %sub3A_220 = arith.constant 8 : i32
      %sub3A_221 = vector.broadcast %sub3A_220 : i32 to vector<16xi32>
      %sub3A_222 = arith.subi %get3A_219, %sub3A_221 : vector<16xi32>
      %mul3A_223 = arith.constant 8 : i32
      %mul3A_224 = vector.broadcast %mul3A_223 : i32 to vector<16xi32>
      %mul3A_225 = arith.muli %sub3A_222, %mul3A_224 : vector<16xi32>
      %add3A_226 = arith.addi %mul3A_225, %get3A_216 : vector<16xi32>
      %swap3A_227 = arith.constant 96 : index
      %swap3A_228 = tpu.vector_load %arg9[%swap3A_227] {strides = array<i32>} : memref<128xi32, #tpu.memory_space<vmem>>, vector<16xi32>,
      %swap3A_229 = vector.shape_cast %swap3A_228 : vector<16xi32> to vector<16xi32>
      %swap3A_230 = vector.shape_cast %add3A_226 : vector<16xi32> to vector<16xi32>
      tpu.vector_store %arg9[%swap3A_227], %swap3A_230 {strides = array<i32>} : memref<128xi32, #tpu.memory_space<vmem>>, vector<16xi32>,
      %get3A_231 = arith.constant 112 : index
      %get3A_232 = tpu.vector_load %arg6[%get3A_231] {strides = array<i32>} : memref<256xi32, #tpu.memory_space<vmem>>, vector<16xi32>,
      %get3A_233 = vector.shape_cast %get3A_232 : vector<16xi32> to vector<16xi32>
      %get3A_234 = arith.constant 112 : index
      %get3A_235 = tpu.vector_load %arg7[%get3A_234] {strides = array<i32>} : memref<256xi32, #tpu.memory_space<vmem>>, vector<16xi32>,
      %get3A_236 = vector.shape_cast %get3A_235 : vector<16xi32> to vector<16xi32>
      %sub3A_237 = arith.constant 8 : i32
      %sub3A_238 = vector.broadcast %sub3A_237 : i32 to vector<16xi32>
      %sub3A_239 = arith.subi %get3A_236, %sub3A_238 : vector<16xi32>
      %mul3A_240 = arith.constant 8 : i32
      %mul3A_241 = vector.broadcast %mul3A_240 : i32 to vector<16xi32>
      %mul3A_242 = arith.muli %sub3A_239, %mul3A_241 : vector<16xi32>
      %add3A_243 = arith.addi %mul3A_242, %get3A_233 : vector<16xi32>
      %swap3A_244 = arith.constant 112 : index
      %swap3A_245 = tpu.vector_load %arg9[%swap3A_244] {strides = array<i32>} : memref<128xi32, #tpu.memory_space<vmem>>, vector<16xi32>,
      %swap3A_246 = vector.shape_cast %swap3A_245 : vector<16xi32> to vector<16xi32>
      %swap3A_247 = vector.shape_cast %add3A_243 : vector<16xi32> to vector<16xi32>
      tpu.vector_store %arg9[%swap3A_244], %swap3A_247 {strides = array<i32>} : memref<128xi32, #tpu.memory_space<vmem>>, vector<16xi32>,
      %get3A_248 = arith.constant 128 : index
      %get3A_249 = tpu.vector_load %arg6[%get3A_248] {strides = array<i32>} : memref<256xi32, #tpu.memory_space<vmem>>, vector<16xi32>,
      %get3A_250 = vector.shape_cast %get3A_249 : vector<16xi32> to vector<16xi32>
      %get3A_251 = arith.constant 128 : index
      %get3A_252 = tpu.vector_load %arg7[%get3A_251] {strides = array<i32>} : memref<256xi32, #tpu.memory_space<vmem>>, vector<16xi32>,
      %get3A_253 = vector.shape_cast %get3A_252 : vector<16xi32> to vector<16xi32>
      %sub3A_254 = arith.constant 8 : i32
      %sub3A_255 = vector.broadcast %sub3A_254 : i32 to vector<16xi32>
      %sub3A_256 = arith.subi %get3A_253, %sub3A_255 : vector<16xi32>
      %mul3A_257 = arith.constant 8 : i32
      %mul3A_258 = vector.broadcast %mul3A_257 : i32 to vector<16xi32>
      %mul3A_259 = arith.muli %sub3A_256, %mul3A_258 : vector<16xi32>
      %add3A_260 = arith.addi %mul3A_259, %get3A_250 : vector<16xi32>
      %swap3A_261 = arith.constant 0 : index
      %swap3A_262 = tpu.vector_load %arg10[%swap3A_261] {strides = array<i32>} : memref<128xi32, #tpu.memory_space<vmem>>, vector<16xi32>,
      %swap3A_263 = vector.shape_cast %swap3A_262 : vector<16xi32> to vector<16xi32>
      %swap3A_264 = vector.shape_cast %add3A_260 : vector<16xi32> to vector<16xi32>
      tpu.vector_store %arg10[%swap3A_261], %swap3A_264 {strides = array<i32>} : memref<128xi32, #tpu.memory_space<vmem>>, vector<16xi32>,
      %get3A_265 = arith.constant 144 : index
      %get3A_266 = tpu.vector_load %arg6[%get3A_265] {strides = array<i32>} : memref<256xi32, #tpu.memory_space<vmem>>, vector<16xi32>,
      %get3A_267 = vector.shape_cast %get3A_266 : vector<16xi32> to vector<16xi32>
      %get3A_268 = arith.constant 144 : index
      %get3A_269 = tpu.vector_load %arg7[%get3A_268] {strides = array<i32>} : memref<256xi32, #tpu.memory_space<vmem>>, vector<16xi32>,
      %get3A_270 = vector.shape_cast %get3A_269 : vector<16xi32> to vector<16xi32>
      %sub3A_271 = arith.constant 8 : i32
      %sub3A_272 = vector.broadcast %sub3A_271 : i32 to vector<16xi32>
      %sub3A_273 = arith.subi %get3A_270, %sub3A_272 : vector<16xi32>
      %mul3A_274 = arith.constant 8 : i32
      %mul3A_275 = vector.broadcast %mul3A_274 : i32 to vector<16xi32>
      %mul3A_276 = arith.muli %sub3A_273, %mul3A_275 : vector<16xi32>
      %add3A_277 = arith.addi %mul3A_276, %get3A_267 : vector<16xi32>
      %swap3A_278 = arith.constant 16 : index
      %swap3A_279 = tpu.vector_load %arg10[%swap3A_278] {strides = array<i32>} : memref<128xi32, #tpu.memory_space<vmem>>, vector<16xi32>,
      %swap3A_280 = vector.shape_cast %swap3A_279 : vector<16xi32> to vector<16xi32>
      %swap3A_281 = vector.shape_cast %add3A_277 : vector<16xi32> to vector<16xi32>
      tpu.vector_store %arg10[%swap3A_278], %swap3A_281 {strides = array<i32>} : memref<128xi32, #tpu.memory_space<vmem>>, vector<16xi32>,
      %get3A_282 = arith.constant 160 : index
      %get3A_283 = tpu.vector_load %arg6[%get3A_282] {strides = array<i32>} : memref<256xi32, #tpu.memory_space<vmem>>, vector<16xi32>,
      %get3A_284 = vector.shape_cast %get3A_283 : vector<16xi32> to vector<16xi32>
      %get3A_285 = arith.constant 160 : index
      %get3A_286 = tpu.vector_load %arg7[%get3A_285] {strides = array<i32>} : memref<256xi32, #tpu.memory_space<vmem>>, vector<16xi32>,
      %get3A_287 = vector.shape_cast %get3A_286 : vector<16xi32> to vector<16xi32>
      %sub3A_288 = arith.constant 8 : i32
      %sub3A_289 = vector.broadcast %sub3A_288 : i32 to vector<16xi32>
      %sub3A_290 = arith.subi %get3A_287, %sub3A_289 : vector<16xi32>
      %mul3A_291 = arith.constant 8 : i32
      %mul3A_292 = vector.broadcast %mul3A_291 : i32 to vector<16xi32>
      %mul3A_293 = arith.muli %sub3A_290, %mul3A_292 : vector<16xi32>
      %add3A_294 = arith.addi %mul3A_293, %get3A_284 : vector<16xi32>
      %swap3A_295 = arith.constant 32 : index
      %swap3A_296 = tpu.vector_load %arg10[%swap3A_295] {strides = array<i32>} : memref<128xi32, #tpu.memory_space<vmem>>, vector<16xi32>,
      %swap3A_297 = vector.shape_cast %swap3A_296 : vector<16xi32> to vector<16xi32>
      %swap3A_298 = vector.shape_cast %add3A_294 : vector<16xi32> to vector<16xi32>
      tpu.vector_store %arg10[%swap3A_295], %swap3A_298 {strides = array<i32>} : memref<128xi32, #tpu.memory_space<vmem>>, vector<16xi32>,
      %get3A_299 = arith.constant 176 : index
      %get3A_300 = tpu.vector_load %arg6[%get3A_299] {strides = array<i32>} : memref<256xi32, #tpu.memory_space<vmem>>, vector<16xi32>,
      %get3A_301 = vector.shape_cast %get3A_300 : vector<16xi32> to vector<16xi32>
      %get3A_302 = arith.constant 176 : index
      %get3A_303 = tpu.vector_load %arg7[%get3A_302] {strides = array<i32>} : memref<256xi32, #tpu.memory_space<vmem>>, vector<16xi32>,
      %get3A_304 = vector.shape_cast %get3A_303 : vector<16xi32> to vector<16xi32>
      %sub3A_305 = arith.constant 8 : i32
      %sub3A_306 = vector.broadcast %sub3A_305 : i32 to vector<16xi32>
      %sub3A_307 = arith.subi %get3A_304, %sub3A_306 : vector<16xi32>
      %mul3A_308 = arith.constant 8 : i32
      %mul3A_309 = vector.broadcast %mul3A_308 : i32 to vector<16xi32>
      %mul3A_310 = arith.muli %sub3A_307, %mul3A_309 : vector<16xi32>
      %add3A_311 = arith.addi %mul3A_310, %get3A_301 : vector<16xi32>
      %swap3A_312 = arith.constant 48 : index
      %swap3A_313 = tpu.vector_load %arg10[%swap3A_312] {strides = array<i32>} : memref<128xi32, #tpu.memory_space<vmem>>, vector<16xi32>,
      %swap3A_314 = vector.shape_cast %swap3A_313 : vector<16xi32> to vector<16xi32>
      %swap3A_315 = vector.shape_cast %add3A_311 : vector<16xi32> to vector<16xi32>
      tpu.vector_store %arg10[%swap3A_312], %swap3A_315 {strides = array<i32>} : memref<128xi32, #tpu.memory_space<vmem>>, vector<16xi32>,
      %get3A_316 = arith.constant 192 : index
      %get3A_317 = tpu.vector_load %arg6[%get3A_316] {strides = array<i32>} : memref<256xi32, #tpu.memory_space<vmem>>, vector<16xi32>,
      %get3A_318 = vector.shape_cast %get3A_317 : vector<16xi32> to vector<16xi32>
      %get3A_319 = arith.constant 192 : index
      %get3A_320 = tpu.vector_load %arg7[%get3A_319] {strides = array<i32>} : memref<256xi32, #tpu.memory_space<vmem>>, vector<16xi32>,
      %get3A_321 = vector.shape_cast %get3A_320 : vector<16xi32> to vector<16xi32>
      %sub3A_322 = arith.constant 8 : i32
      %sub3A_323 = vector.broadcast %sub3A_322 : i32 to vector<16xi32>
      %sub3A_324 = arith.subi %get3A_321, %sub3A_323 : vector<16xi32>
      %mul3A_325 = arith.constant 8 : i32
      %mul3A_326 = vector.broadcast %mul3A_325 : i32 to vector<16xi32>
      %mul3A_327 = arith.muli %sub3A_324, %mul3A_326 : vector<16xi32>
      %add3A_328 = arith.addi %mul3A_327, %get3A_318 : vector<16xi32>
      %swap3A_329 = arith.constant 64 : index
      %swap3A_330 = tpu.vector_load %arg10[%swap3A_329] {strides = array<i32>} : memref<128xi32, #tpu.memory_space<vmem>>, vector<16xi32>,
      %swap3A_331 = vector.shape_cast %swap3A_330 : vector<16xi32> to vector<16xi32>
      %swap3A_332 = vector.shape_cast %add3A_328 : vector<16xi32> to vector<16xi32>
      tpu.vector_store %arg10[%swap3A_329], %swap3A_332 {strides = array<i32>} : memref<128xi32, #tpu.memory_space<vmem>>, vector<16xi32>,
      %get3A_333 = arith.constant 208 : index
      %get3A_334 = tpu.vector_load %arg6[%get3A_333] {strides = array<i32>} : memref<256xi32, #tpu.memory_space<vmem>>, vector<16xi32>,
      %get3A_335 = vector.shape_cast %get3A_334 : vector<16xi32> to vector<16xi32>
      %get3A_336 = arith.constant 208 : index
      %get3A_337 = tpu.vector_load %arg7[%get3A_336] {strides = array<i32>} : memref<256xi32, #tpu.memory_space<vmem>>, vector<16xi32>,
      %get3A_338 = vector.shape_cast %get3A_337 : vector<16xi32> to vector<16xi32>
      %sub3A_339 = arith.constant 8 : i32
      %sub3A_340 = vector.broadcast %sub3A_339 : i32 to vector<16xi32>
      %sub3A_341 = arith.subi %get3A_338, %sub3A_340 : vector<16xi32>
      %mul3A_342 = arith.constant 8 : i32
      %mul3A_343 = vector.broadcast %mul3A_342 : i32 to vector<16xi32>
      %mul3A_344 = arith.muli %sub3A_341, %mul3A_343 : vector<16xi32>
      %add3A_345 = arith.addi %mul3A_344, %get3A_335 : vector<16xi32>
      %swap3A_346 = arith.constant 80 : index
      %swap3A_347 = tpu.vector_load %arg10[%swap3A_346] {strides = array<i32>} : memref<128xi32, #tpu.memory_space<vmem>>, vector<16xi32>,
      %swap3A_348 = vector.shape_cast %swap3A_347 : vector<16xi32> to vector<16xi32>
      %swap3A_349 = vector.shape_cast %add3A_345 : vector<16xi32> to vector<16xi32>
      tpu.vector_store %arg10[%swap3A_346], %swap3A_349 {strides = array<i32>} : memref<128xi32, #tpu.memory_space<vmem>>, vector<16xi32>,
      %get3A_350 = arith.constant 224 : index
      %get3A_351 = tpu.vector_load %arg6[%get3A_350] {strides = array<i32>} : memref<256xi32, #tpu.memory_space<vmem>>, vector<16xi32>,
      %get3A_352 = vector.shape_cast %get3A_351 : vector<16xi32> to vector<16xi32>
      %get3A_353 = arith.constant 224 : index
      %get3A_354 = tpu.vector_load %arg7[%get3A_353] {strides = array<i32>} : memref<256xi32, #tpu.memory_space<vmem>>, vector<16xi32>,
      %get3A_355 = vector.shape_cast %get3A_354 : vector<16xi32> to vector<16xi32>
      %sub3A_356 = arith.constant 8 : i32
      %sub3A_357 = vector.broadcast %sub3A_356 : i32 to vector<16xi32>
      %sub3A_358 = arith.subi %get3A_355, %sub3A_357 : vector<16xi32>
      %mul3A_359 = arith.constant 8 : i32
      %mul3A_360 = vector.broadcast %mul3A_359 : i32 to vector<16xi32>
      %mul3A_361 = arith.muli %sub3A_358, %mul3A_360 : vector<16xi32>
      %add3A_362 = arith.addi %mul3A_361, %get3A_352 : vector<16xi32>
      %swap3A_363 = arith.constant 96 : index
      %swap3A_364 = tpu.vector_load %arg10[%swap3A_363] {strides = array<i32>} : memref<128xi32, #tpu.memory_space<vmem>>, vector<16xi32>,
      %swap3A_365 = vector.shape_cast %swap3A_364 : vector<16xi32> to vector<16xi32>
      %swap3A_366 = vector.shape_cast %add3A_362 : vector<16xi32> to vector<16xi32>
      tpu.vector_store %arg10[%swap3A_363], %swap3A_366 {strides = array<i32>} : memref<128xi32, #tpu.memory_space<vmem>>, vector<16xi32>,
      %get3A_367 = arith.constant 240 : index
      %get3A_368 = tpu.vector_load %arg6[%get3A_367] {strides = array<i32>} : memref<256xi32, #tpu.memory_space<vmem>>, vector<16xi32>,
      %get3A_369 = vector.shape_cast %get3A_368 : vector<16xi32> to vector<16xi32>
      %get3A_370 = arith.constant 240 : index
      %get3A_371 = tpu.vector_load %arg7[%get3A_370] {strides = array<i32>} : memref<256xi32, #tpu.memory_space<vmem>>, vector<16xi32>,
      %get3A_372 = vector.shape_cast %get3A_371 : vector<16xi32> to vector<16xi32>
      %sub3A_373 = arith.constant 8 : i32
      %sub3A_374 = vector.broadcast %sub3A_373 : i32 to vector<16xi32>
      %sub3A_375 = arith.subi %get3A_372, %sub3A_374 : vector<16xi32>
      %mul3A_376 = arith.constant 8 : i32
      %mul3A_377 = vector.broadcast %mul3A_376 : i32 to vector<16xi32>
      %mul3A_378 = arith.muli %sub3A_375, %mul3A_377 : vector<16xi32>
      %add3A_379 = arith.addi %mul3A_378, %get3A_369 : vector<16xi32>
      %swap3A_380 = arith.constant 112 : index
      %swap3A_381 = tpu.vector_load %arg10[%swap3A_380] {strides = array<i32>} : memref<128xi32, #tpu.memory_space<vmem>>, vector<16xi32>,
      %swap3A_382 = vector.shape_cast %swap3A_381 : vector<16xi32> to vector<16xi32>
      %swap3A_383 = vector.shape_cast %add3A_379 : vector<16xi32> to vector<16xi32>
      tpu.vector_store %arg10[%swap3A_380], %swap3A_383 {strides = array<i32>} : memref<128xi32, #tpu.memory_space<vmem>>, vector<16xi32>,
      %dma_start3A = arith.constant 0 : i32
      %dma_start3A_384 = tpu.memref_slice %arg8[%dma_start3A] : memref<256xf32, #tpu.memory_space<vmem>> -> memref<128xf32, #tpu.memory_space<vmem>>
      %dma_start3A_385 = arith.constant 0 : i32
      %dma_start3A_386 = tpu.memref_slice %arg12[%dma_start3A_385] : memref<448xf32, #tpu.memory_space<vmem_shared>> -> memref<448xf32, #tpu.memory_space<vmem_shared>>
      tpu.enqueue_indirect_dma source(%dma_start3A_384 : memref<128xf32, #tpu.memory_space<vmem>>) target(%dma_start3A_386 : memref<448xf32, #tpu.memory_space<vmem_shared>>) offsets(%arg9 : memref<128xi32, #tpu.memory_space<vmem>>) semaphore(%arg13 : memref<!tpu.dma_semaphore, #tpu.memory_space<semaphore_mem>>) {add = true}
      %dma_start3A_387 = arith.constant 128 : i32
      %dma_start3A_388 = tpu.memref_slice %arg8[%dma_start3A_387] : memref<256xf32, #tpu.memory_space<vmem>> -> memref<128xf32, #tpu.memory_space<vmem>>
      %dma_start3A_389 = arith.constant 0 : i32
      %dma_start3A_390 = tpu.memref_slice %arg12[%dma_start3A_389] : memref<448xf32, #tpu.memory_space<vmem_shared>> -> memref<448xf32, #tpu.memory_space<vmem_shared>>
      tpu.enqueue_indirect_dma source(%dma_start3A_388 : memref<128xf32, #tpu.memory_space<vmem>>) target(%dma_start3A_390 : memref<448xf32, #tpu.memory_space<vmem_shared>>) offsets(%arg10 : memref<128xi32, #tpu.memory_space<vmem>>) semaphore(%arg14 : memref<!tpu.dma_semaphore, #tpu.memory_space<semaphore_mem>>) {add = true}
      %dma_wait3A = arith.constant 0 : i32
      %dma_wait3A_391 = tpu.memref_slice %arg8[%dma_wait3A] : memref<256xf32, #tpu.memory_space<vmem>> -> memref<128xf32, #tpu.memory_space<vmem>>
      %dma_wait3A_392 = arith.constant 0 : i32
      %dma_wait3A_393 = tpu.memref_slice %arg12[%dma_wait3A_392] : memref<448xf32, #tpu.memory_space<vmem_shared>> -> memref<448xf32, #tpu.memory_space<vmem_shared>>
      tpu.wait_indirect_dma semaphore(%arg13 : memref<!tpu.dma_semaphore, #tpu.memory_space<semaphore_mem>>) src(%dma_wait3A_391 : memref<128xf32, #tpu.memory_space<vmem>>) dst(%dma_wait3A_393 : memref<448xf32, #tpu.memory_space<vmem_shared>>)
      %dma_wait3A_394 = arith.constant 128 : i32
      %dma_wait3A_395 = tpu.memref_slice %arg8[%dma_wait3A_394] : memref<256xf32, #tpu.memory_space<vmem>> -> memref<128xf32, #tpu.memory_space<vmem>>
      %dma_wait3A_396 = arith.constant 0 : i32
      %dma_wait3A_397 = tpu.memref_slice %arg12[%dma_wait3A_396] : memref<448xf32, #tpu.memory_space<vmem_shared>> -> memref<448xf32, #tpu.memory_space<vmem_shared>>
      tpu.wait_indirect_dma semaphore(%arg14 : memref<!tpu.dma_semaphore, #tpu.memory_space<semaphore_mem>>) src(%dma_wait3A_395 : memref<128xf32, #tpu.memory_space<vmem>>) dst(%dma_wait3A_397 : memref<448xf32, #tpu.memory_space<vmem_shared>>)
      "tpu.region"() ({
        %run_scoped3A = tpu.sem_alloc : memref<!tpu.dma_semaphore, #tpu.memory_space<semaphore_mem>>
        tpu.enqueue_dma source(%arg12 : memref<448xf32, #tpu.memory_space<vmem_shared>>) target(%arg5 : memref<448xf32, #tpu.memory_space<hbm>>) target_semaphore(%run_scoped3A : memref<!tpu.dma_semaphore, #tpu.memory_space<semaphore_mem>>)
        tpu.wait_dma2 semaphore(%run_scoped3A : memref<!tpu.dma_semaphore, #tpu.memory_space<semaphore_mem>>) src(%arg12 : memref<448xf32, #tpu.memory_space<vmem_shared>>) dst(%arg5 : memref<448xf32, #tpu.memory_space<hbm>>)
        tpu.yield
      }) : () -> ()
    } else {
    }
    return
  }
}

module attributes {stable_mosaic.version = 14 : i64} {
  func.func @_tc_dense_kernel(%arg0: i32, %arg1: memref<56x8xf32, #tpu.memory_space<vmem>>, %arg2: memref<1x65536xf32, #tpu.memory_space<vmem>>, %arg3: memref<1x65536xf32, #tpu.memory_space<vmem>>, %arg4: memref<6x65536xf32, #tpu.memory_space<vmem>>, %arg5: memref<56x65536xf32, #tpu.memory_space<vmem>>) attributes {dimension_semantics = [#tpu.dimension_semantics<arbitrary>], iteration_bounds = array<i64: 4>, scalar_prefetch = 0 : i64, scratch_operands = 0 : i64, tpu.core_type = #tpu.core_type<tc>, window_params = [{pipeline_mode = #tpu.pipeline_mode<synchronous>, transform_indices = @transform_0, window_bounds = array<i64: 56, 8>}, {transform_indices = @transform_1, window_bounds = array<i64: 1, 65536>}, {transform_indices = @transform_2, window_bounds = array<i64: 1, 65536>}, {transform_indices = @transform_3, window_bounds = array<i64: 6, 65536>}, {transform_indices = @transform_4, window_bounds = array<i64: 56, 65536>}]} {
    %get3A = arith.constant 0 : index
    %get3A_0 = arith.constant 0 : index
    %get3A_1 = vector.load %arg2[%get3A, %get3A_0] : memref<1x65536xf32, #tpu.memory_space<vmem>>, vector<1x65536xf32>
    %get3A_2 = arith.constant 0 : index
    %get3A_3 = arith.constant 0 : index
    %get3A_4 = vector.load %arg3[%get3A_2, %get3A_3] : memref<1x65536xf32, #tpu.memory_space<vmem>>, vector<1x65536xf32>
    %get3A_5 = arith.constant 0 : index
    %get3A_6 = arith.constant 0 : index
    %get3A_7 = vector.load %arg4[%get3A_5, %get3A_6] : memref<6x65536xf32, #tpu.memory_space<vmem>>, vector<6x65536xf32>
    %concatenate3A = tpu.concatenate %get3A_1, %get3A_4, %get3A_7 in 0 : vector<1x65536xf32>, vector<1x65536xf32>, vector<6x65536xf32> -> vector<8x65536xf32>
    %get3A_8 = arith.constant 0 : index
    %get3A_9 = arith.constant 0 : index
    %get3A_10 = vector.load %arg1[%get3A_8, %get3A_9] : memref<56x8xf32, #tpu.memory_space<vmem>>, vector<56x8xf32>
    %dot_general3A = arith.constant dense<0.000000e+00> : vector<56x65536xf32>
    %dot_general3A_11 = tpu.matmul %get3A_10, %concatenate3A, %dot_general3A {dimension_numbers = #tpu.dot_dimension_numbers<[1], [0], [0], [1], [0, 0, 1, 1], [], []>, transpose_lhs_hint = false} : vector<56x8xf32>, vector<8x65536xf32>, vector<56x65536xf32> -> vector<56x65536xf32>
    %swap3A = arith.constant 0 : index
    %swap3A_12 = arith.constant 0 : index
    %swap3A_13 = vector.load %arg5[%swap3A, %swap3A_12] : memref<56x65536xf32, #tpu.memory_space<vmem>>, vector<56x65536xf32>
    tpu.vector_store %arg5[%swap3A, %swap3A_12], %dot_general3A_11 {strides = array<i32>} : memref<56x65536xf32, #tpu.memory_space<vmem>>, vector<56x65536xf32>,
    return
  }
  func.func @transform_0(%arg0: i32) -> (i32, i32) {
    %c0_i32 = arith.constant 0 : i32
    %c0_i32_0 = arith.constant 0 : i32
    %c0_i32_1 = arith.constant 0 : i32
    return %c0_i32, %c0_i32_0 : i32, i32
  }
  func.func @transform_1(%arg0: i32) -> (i32, i32) {
    %c0_i32 = arith.constant 0 : i32
    %c0_i32_0 = arith.constant 0 : i32
    return %c0_i32, %arg0 : i32, i32
  }
  func.func @transform_2(%arg0: i32) -> (i32, i32) {
    %c0_i32 = arith.constant 0 : i32
    %c0_i32_0 = arith.constant 0 : i32
    return %c0_i32, %arg0 : i32, i32
  }
  func.func @transform_3(%arg0: i32) -> (i32, i32) {
    %c0_i32 = arith.constant 0 : i32
    %c0_i32_0 = arith.constant 0 : i32
    return %c0_i32, %arg0 : i32, i32
  }
  func.func @transform_4(%arg0: i32) -> (i32, i32) {
    %c0_i32 = arith.constant 0 : i32
    %c0_i32_0 = arith.constant 0 : i32
    return %c0_i32, %arg0 : i32, i32
  }
}

</mosaic_0001>

<sc_bundles>
// kernel: kernel.4.cloned.1.call-start
scs
__scs_entry_jumppad:
0x0: {  	(pc) =	sbr.rel $0x88, $3  }
0x1: {  	(tag) =	ssettag $0x0;
	lr =	simm.s32 $0x1  }
0x2: {  	[smem:$0x3F9B] =	sst lr;
	_ =	strace $0xD0000000  }
0x3: {  	_ = 	snop  }
0x4: {  	_ = 	snop  }
0x5: {  	_ = 	snop  }
0x6: {  	_ = 	snop  }
0x7: {  	_ = 	snop  }
__scs_overlays_trampoline_lowered:
0x8: {  	[smem:$0x3FAA] =	sst s0  }
0x9: {  	[smem:$0x3FAB] =	sst s1  }
0xa: {  	[smem:$0x3FAC] =	sst s2  }
0xb: {  	[smem:$0x3FAD] =	sst s3  }
0xc: {  	[smem:$0x3FAE] =	sst s4  }
0xd: {  	[smem:$0x3FAF] =	sst s5  }
0xe: {  	[smem:$0x3FB0] =	sst s6  }
0xf: {  	[smem:$0x3FB1] =	sst s7  }
0x10: {  	[smem:$0x3FB2] =	sst s8  }
0x11: {  	[smem:$0x3FB3] =	sst s9;
	s0 =	simm.s32 @!p0 $0x0  }
0x12: {  	s1 =	sld [smem:$0x3F99];
	s0 =	simm.s32 @p0 $0x1  }
0x13: {  	[smem:$0x3FB4] =	sst s0;
	s0 =	simm.s32 @!p1 $0x0  }
0x14: {  	s2 =	sld [smem:$0x3F98];
	s0 =	simm.s32 @p1 $0x1  }
0x15: {  	[smem:$0x3FB5] =	sst s0;
	s0 =	simm.s32 @!p2 $0x0  }
0x16: {  	s3 =	sld [smem:$0x3FDB];
	s0 =	simm.s32 @p2 $0x1  }
0x17: {  	s4 =	simm.s32 $0x1BF5;
	[smem:$0x3FB7] =	sst s0  }
0x18: {  	s0 =	sld [smem:$0x3F9A];
	_ =	swait.ge [sflag:s4], $0x0  }
0x19: {  	s7 =	sld [smem:$0x3F9B]  }
0x1a: {  	s8 =	sadd.s32 $0xFFFFE003, lr  }
0x1b: {  	s9 =	sadd.s32 $0xFFFFFEF7, lr;
	s5 =	simm.s32 $0xFFFFFFFF;
	p2 =	slt.u32 s8, $0xFFFFF086  }
0x1c: {  	p1 =	slt.u32 s9, $0xF7A;
	s5 =	simm.s32 @!p2 $0x0  }
0x1d: {  	s5 =	simm.s32 @p1 $0x1;
	p0 =	seq.s32 s7, s2  }
0x1e: {  	s7 =	smul.u32 @!p0 $0xF7A, s2;
	p2 =	seq.s32 @!p0 s5, $0x0  }
0x1f: {  	s9 =	smul.u32 $0xF7A, s1;
	s8 =	simm.s32 @!p0 $0x1BF5;
	p2 =	por !p2, p0  }
0x20: {  	[sflag:s8] =	ssyncset.s32 @!p0 $0xFFFFF086;
	s6 =	sadd.s32 @!p0 s3, s7;
	s7 =	simm.s32 @!p0 $0x108  }
0x21: {  	s3 =	sadd.s32 s3, s9;
	s6 =	sadd.s32 @!p0 $0x88, s6;
	s7 =	simm.s32 @p2 $0x1082  }
0x22: {  	[simem:s7], [sflag:s8] =	dma.local @!p0 [hbm:s6], $0xF7A  }
0x23: {  	s9 =	sor.u32 $0xD0000000, s2;
	s6 =	simm.s32 $0x108;
	_ =	swait.ge @!p0 [sflag:s8], $0x0  }
0x24: {  	s3 =	sadd.s32 $0x88, s3;
	s6 =	simm.s32 @!p1 $0x1082;
	[sflag:s4] =	ssyncset.s32 $0xFFFFF086  }
0x25: {  	[simem:s6], [sflag:s4] =	dma.local [hbm:s3], $0xF7A  }
0x26: {  	[smem:$0x3F9B] =	sst s1;
	(tag) =	ssettag s2;
	_ =	strace s9  }
0x27: {  	s1 =	sld [smem:$0x3FAB]  }
0x28: {  	s2 =	sld [smem:$0x3FAC]  }
0x29: {  	s4 =	sld [smem:$0x3FAE]  }
0x2a: {  	p0 =	seq.s32 s5, $0x0;
	s5 =	sld [smem:$0x3FAF]  }
0x2b: {  	s6 =	sld [smem:$0x3FB0]  }
0x2c: {  	s7 =	sld [smem:$0x3FB1]  }
0x2d: {  	s3 =	simm.s32 $0x108;
	s8 =	sld [smem:$0x3FB2]  }
0x2e: {  	s3 =	simm.s32 @!p0 $0x1082;
	s9 =	sld [smem:$0x3FB3]  }
0x2f: {  	lr =	sadd.s32 s0, s3;
	s0 =	sld [smem:$0x3FAA]  }
0x30: {  	s3 =	sld [smem:$0x3FAD]  }
0x31: {  	[smem:$0x3FB6] =	sst s10  }
0x32: {  	s10 =	sld [smem:$0x3FB4];
	_ =	sdelay $0x3  }
0x33: {  	p0 =	seq.s32 s10, $0x1;
	s10 =	sld [smem:$0x3FB6];
	_ =	sdelay $0x3  }
0x34: {  	[smem:$0x3FB6] =	sst s10  }
0x35: {  	s10 =	sld [smem:$0x3FB5];
	_ =	sdelay $0x3  }
0x36: {  	p1 =	seq.s32 s10, $0x1;
	s10 =	sld [smem:$0x3FB6];
	_ =	sdelay $0x3  }
0x37: {  	[smem:$0x3FB6] =	sst s10  }
0x38: {  	s10 =	sld [smem:$0x3FB7]  }
0x39: {  	_ = 	snop;
	(pc) =	sbr.ind lr, $3  }
0x3a: {  	_ = 	snop  }
0x3b: {  	_ = 	snop  }
0x3c: {  	p2 =	seq.s32 s10, $0x1;
	s10 =	sld [smem:$0x3FB6]  }
0x3d: {  	_ =	shalt  }
0x3e: {  	_ =	shalt  }
0x3f: {  	_ =	shalt  }
0x40: {  	_ =	shalt  }
0x41: {  	_ =	shalt  }
0x42: {  	_ =	shalt  }
0x43: {  	_ =	shalt  }
0x44: {  	_ =	shalt  }
0x45: {  	_ =	shalt  }
0x46: {  	_ =	shalt  }
0x47: {  	_ =	shalt  }
0x48: {  	_ =	shalt  }
0x49: {  	_ =	shalt  }
0x4a: {  	_ =	shalt  }
0x4b: {  	_ =	shalt  }
0x4c: {  	_ =	shalt  }
0x4d: {  	_ =	shalt  }
0x4e: {  	_ =	shalt  }
0x4f: {  	_ =	shalt  }
0x50: {  	_ =	shalt  }
0x51: {  	_ =	shalt  }
0x52: {  	_ =	shalt  }
0x53: {  	_ =	shalt  }
0x54: {  	_ =	shalt  }
0x55: {  	_ =	shalt  }
0x56: {  	_ =	shalt  }
0x57: {  	_ =	shalt  }
0x58: {  	_ =	shalt  }
0x59: {  	_ =	shalt  }
0x5a: {  	_ =	shalt  }
0x5b: {  	_ =	shalt  }
0x5c: {  	_ =	shalt  }
0x5d: {  	_ =	shalt  }
0x5e: {  	_ =	shalt  }
0x5f: {  	_ =	shalt  }
0x60: {  	_ =	shalt  }
0x61: {  	_ =	shalt  }
0x62: {  	_ =	shalt  }
0x63: {  	_ =	shalt  }
0x64: {  	_ =	shalt  }
0x65: {  	_ =	shalt  }
0x66: {  	_ =	shalt  }
0x67: {  	_ =	shalt  }
0x68: {  	_ =	shalt  }
0x69: {  	_ =	shalt  }
0x6a: {  	_ =	shalt  }
0x6b: {  	_ =	shalt  }
0x6c: {  	_ =	shalt  }
0x6d: {  	_ =	shalt  }
0x6e: {  	_ =	shalt  }
0x6f: {  	_ =	shalt  }
0x70: {  	_ =	shalt  }
0x71: {  	_ =	shalt  }
0x72: {  	_ =	shalt  }
0x73: {  	_ =	shalt  }
0x74: {  	_ =	shalt  }
0x75: {  	_ =	shalt  }
0x76: {  	_ =	shalt  }
0x77: {  	_ =	shalt  }
0x78: {  	_ =	shalt  }
0x79: {  	_ =	shalt  }
0x7a: {  	_ =	shalt  }
0x7b: {  	_ =	shalt  }
0x7c: {  	_ =	shalt  }
0x7d: {  	_ =	shalt  }
0x7e: {  	_ =	shalt  }
0x7f: {  	_ =	shalt  }
0x80: {  	_ =	shalt  }
0x81: {  	_ =	shalt  }
0x82: {  	_ =	shalt  }
0x83: {  	_ =	shalt  }
0x84: {  	_ =	shalt  }
0x85: {  	_ =	shalt  }
0x86: {  	_ =	shalt  }
0x87: {  	_ =	shalt  }
.Lfunc_end0:
.L_simem_size_0:
called_computation_lowered:
.L_overlay_start_0:
0x88: {  	s0 =	sld [smem:$0x3FD9]  }
0x89: {  	s1 =	sld [smem:$0x3FFE];
	_ =	sdelay $0x3  }
0x8a: {  	s0 =	sadd.s32 s1, s0  }
0x8b: {  	[smem:$0x3FC2] =	sst s0  }
0x8c: {  	_ = 	snop  }
0x8d: {  	s0 =	sld [smem:$0x3FC6]  }
0x8e: {  	s17 =	sld [smem:$0x3FC5]  }
0x8f: {  	s2 =	sld [smem:$0x3FC4]  }
0x90: {  	s3 =	sld [smem:$0x3FD0];
	(tm) =	ssettm $0x1  }
0x91: {  	s4 =	sld [smem:$0x3FFB];
	_ =	sdelay $0x3  }
0x92: {  	_ =	strace s4  }
0x93: {  	s4 =	sld [smem:$0x3FFC];
	_ =	sdelay $0x3  }
0x94: {  	_ =	strace s4  }
0x95: {  	s4 =	sld [smem:$0x3FFD];
	_ =	sdelay $0x3  }
0x96: {  	_ =	strace s4  }
0x97: {  	_ =	strace $0x8FFFFFFF  }
0x98: {  	s18 =	sld [smem:$0x3FDB];
	_ =	sdelay $0x1  }
0x99: {  	s5 =	simm.s32 $_scs_section_size  }
0x9a: {  	s6 =	simm.s32 $_size__tile_overlayer_lowered;
	s7 =	simm.s32 $_tile_overlayer_lowered  }
0x9b: {  	s21 =	simm.s32 $0x1BFF;
	s20 =	sshll.u32 s7, $0x1;
	s4 =	sadd.s32 s5, s18  }
0x9c: {  	s8 =	simm.s32 $0x0;
	s19 =	sshll.u32 s6, $0x1;
	s6 =	sadd.s32 s20, s4  }
0x9d: {  	[timem:s8], [sflag:s21] =	dma.local [hbm:s6], s19  }
0x9e: {  	_ =	swait.ge [sflag:s21], s19  }
0x9f: {  	s5 =	ssub.s32 $0x0, s19;
	[sflag:s21] =	ssyncset.done $0x0  }
0xa0: {  	[sflag:s21] =	ssyncadd.s32 s5;
	_ =	sdelay $0x1  }
0xa1: {  	s22 =	simm.s32 $0x1B8B  }
0xa2: {  	_ =	swait.ge [sflag:s22], $0x1  }
0xa3: {  	[sflag:s22] =	ssyncset.done $0x0  }
0xa4: {  	s23 =	simm.s32 $0x1B8E;
	[sflag:s22] =	ssyncadd.s32 $0xFFFFFFFF  }
0xa5: {  	s24 =	simm.s32 $execute0_lowered;
	[smem:$0x3FD2] =	sst s23  }
0xa6: {  	s5 =	sshll.u32 s24, $0x1;
	_ =	strace $0x80000046;
	[dreg:$0x1] =	wrdreg $0xFFFFFFFF  }
0xa7: {  	s25 =	simm.s32 $_size_execute0_lowered;
	s4 =	sadd.s32 s4, s5;
	[dreg:$0x0] =	wrdreg $0x0  }
0xa8: {  	s5 =	sshll.u32 s25, $0x1;
	[dreg:$0x2] =	wrdreg s4  }
0xa9: {  	[dreg:$0x3] =	wrdreg s5  }
0xaa: {  	[dreg:$0x4] =	wrdreg $0xC0  }
0xab: {  	_ =	task [dreg:s8], $0x5FFFF  }
0xac: {  	[dreg:$0x1] =	wrdreg $0xFFFFFFFF  }
0xad: {  	[dreg:$0x0] =	wrdreg $0x60  }
0xae: {  	[dreg:$0x2] =	wrdreg s17  }
0xaf: {  	[dreg:$0x3] =	wrdreg s2  }
0xb0: {  	[dreg:$0x4] =	wrdreg s0  }
0xb1: {  	[dreg:$0x5] =	wrdreg s3  }
0xb2: {  	[dreg:$0x6] =	wrdreg $0x6000  }
0xb3: {  	[dreg:$0x7] =	wrdreg $0x9  }
0xb4: {  	_ =	task.clear_ibuf [dreg:s8], $0x8FFFF;
	_ =	strace $0x90000046  }
0xb5: {  	s26 =	simm.s32 $0x9;
	_ =	strace $0x80000048  }
0xb6: {  	_ =	swait.ge [sflag:s26], $0x1  }
0xb7: {  	[sflag:s26] =	ssyncadd.s32 $0xFFFFFFFF  }
0xb8: {  	_ =	strace $0x90000048  }
0xb9: {  	_ =	sfence  }
0xba: {  	s28 =	sld [smem:$0x0];
	_ =	sdelay $0x1  }
0xbb: {  	s29 =	srdreg.scid  }
0xbc: {  	s30 =	sshll.u32 s29, $0xD;
	s31 =	sshrl.u32 s29, $0x2  }
0xbd: {  	s1 =	sand.u32 $0x1, s29;
	s2 =	sand.u32 $0x4000, s30;
	s0 =	sadd.s32 s31, s28  }
0xbe: {  	s1 =	sor.u32 s2, s1;
	s0 =	sshll.u32 s0, $0x11  }
0xbf: {  	s0 =	sor.u32 s0, s1  }
0xc0: {  	s0 =	sadd.s32 $0x8F2B, s0  }
0xc1: {  	[sflag:s0] =	ssyncadd.remote.s32 $0x1  }
0xc2: {  	_ =	sfence.sel $0xFFFF  }
0xc3: {  	[dreg:$0x0] =	wrdreg $0xFFFFFFFF;
	(pc) =	sbr.abs _section_cstart, $3  }
0xc4: {  	[dreg:$0x1] =	wrdreg $0xFFFFFFFF  }
0xc5: {  	_ =	task.clear_ibuf [dreg:s8], $0x2FFFF;
	_ =	strace $0x9FFFFFFF  }
0xc6: {  	(tm) =	ssettm $0x7FFFFFFF  }
0xc7: {  	_ =	shalt  }
tec
execute0_lowered:
.L_overlay_start_1:
0x0: {  	(tag) =	ssettag $0x1  }
0x1: {  	s5 =	rddreg [dreg:$0x0]  }
0x2: {  	s3 =	rddreg [dreg:$0x1]  }
0x3: {  	s4 =	rddreg [dreg:$0x2]  }
0x4: {  	s1 =	rddreg [dreg:$0x3]  }
0x5: {  	s2 =	rddreg [dreg:$0x4];
	s6 =	stileid.u32  }
0x6: {  	s0 =	rddreg [dreg:$0x5];
	_ =	strace $0x80000047;
	p0 =	sne.s32 s6, $0x0  }
0x7: {  	_ =	sfence.sel @p0 $0x180000  }
0x8: {  	[bflag:$0x0] =	sbarrier.arrive @p0 $0xFFFF  }
0x9: {  	_ =	strace @p0 $0x90000047  }
0xa: {  	[bflag:$0x2] =	sbarrier.arrive @p0 $0xFFFF  }
0xb: {  	_ =	shalt @p0  }
.LBB2_1:
0xc: {  	s6 =	simm.s32 $0x0  }
0xd: {  	[tilespmem:s6], [sflag:$0x1] =	stream.linear.gather [hbm4b:s5+s6], $0x100, $0x38;
	[tilespmem:$0x620] =	vst v63  }
0xe: {  	s20 =	simm.s32 $0x100  }
0xf: {  	[tilespmem:s20], [sflag:$0x2] =	stream.linear.gather [hbm4b:s3+s6], $0x100, $0x38;
	[tilespmem:$0x620] =	vst v63  }
0x10: {  	s21 =	simm.s32 $0x200  }
0x11: {  	v0 =	vimm.f32 $0.0e+00;
	[tilespmem:s21], [sflag:$0x3] =	stream.linear.gather [hbm4b:s4+s6], $0x100, $0x38;
	[tilespmem:$0x620] =	vst v63  }
0x12: {  	[tilespmem:$0x400] =	vst v0  }
0x13: {  	[tilespmem:$0x410] =	vst v0  }
0x14: {  	[tilespmem:$0x420] =	vst v0  }
0x15: {  	[tilespmem:$0x430] =	vst v0  }
0x16: {  	[tilespmem:$0x440] =	vst v0  }
0x17: {  	[tilespmem:$0x450] =	vst v0  }
0x18: {  	[tilespmem:$0x460] =	vst v0  }
0x19: {  	[tilespmem:$0x470] =	vst v0  }
0x1a: {  	[tilespmem:$0x480] =	vst v0  }
0x1b: {  	[tilespmem:$0x490] =	vst v0  }
0x1c: {  	[tilespmem:$0x4A0] =	vst v0  }
0x1d: {  	[tilespmem:$0x4B0] =	vst v0  }
0x1e: {  	[tilespmem:$0x4C0] =	vst v0  }
0x1f: {  	[tilespmem:$0x4D0] =	vst v0  }
0x20: {  	[tilespmem:$0x4E0] =	vst v0  }
0x21: {  	[tilespmem:$0x4F0] =	vst v0  }
0x22: {  	[tilespmem:$0x500] =	vst v0  }
0x23: {  	[tilespmem:$0x510] =	vst v0  }
0x24: {  	[tilespmem:$0x520] =	vst v0  }
0x25: {  	[tilespmem:$0x530] =	vst v0  }
0x26: {  	[tilespmem:$0x540] =	vst v0  }
0x27: {  	[tilespmem:$0x550] =	vst v0  }
0x28: {  	[tilespmem:$0x560] =	vst v0  }
0x29: {  	[tilespmem:$0x570] =	vst v0  }
0x2a: {  	[tilespmem:$0x580] =	vst v0  }
0x2b: {  	[tilespmem:$0x590] =	vst v0  }
0x2c: {  	[tilespmem:$0x5A0] =	vst v0  }
0x2d: {  	s22 =	simm.s32 $0x400;
	s23 =	simm.s32 $0x4;
	[tilespmem:$0x5B0] =	vst v0  }
0x2e: {  	[spmem:s2] =	stream.linear.scatter [tilespmem:s22], [sflag:$0x4], $0x200, $0x38;
	[tilespmem:$0x620] =	vst v63  }
0x2f: {  	_ =	swait.ge [sflag:s23], $0x200  }
0x30: {  	[sflag:s23] =	ssyncset.done $0x0  }
0x31: {  	s24 =	simm.s32 $0x1;
	[sflag:s23] =	ssyncadd.s32 $0xFFFFFE00  }
0x32: {  	_ =	swait.ge [sflag:s24], $0x100  }
0x33: {  	[sflag:s24] =	ssyncset.done $0x0  }
0x34: {  	s25 =	simm.s32 $0x2;
	[sflag:s24] =	ssyncadd.s32 $0xFFFFFF00  }
0x35: {  	_ =	swait.ge [sflag:s25], $0x100  }
0x36: {  	[sflag:s25] =	ssyncset.done $0x0  }
0x37: {  	s7 =	simm.s32 $0x3;
	[sflag:s25] =	ssyncadd.s32 $0xFFFFFF00  }
0x38: {  	_ =	swait.ge [sflag:s7], $0x100  }
0x39: {  	[sflag:s7] =	ssyncset.done $0x0  }
0x3a: {  	[sflag:s7] =	ssyncadd.s32 $0xFFFFFF00  }
0x3b: {  	v57 =	vld [tilespmem:$0x0]  }
0x3c: {  	v1 =	vld [tilespmem:$0x100]  }
0x3d: {  	v2 =	vld [tilespmem:$0x10]  }
0x3e: {  	v3 =	vld [tilespmem:$0x110]  }
0x3f: {  	v4 =	vld [tilespmem:$0x20]  }
0x40: {  	v5 =	vld [tilespmem:$0x120]  }
0x41: {  	v6 =	vld [tilespmem:$0x30]  }
0x42: {  	v7 =	vld [tilespmem:$0x130]  }
0x43: {  	v8 =	vld [tilespmem:$0x40]  }
0x44: {  	v9 =	vld [tilespmem:$0x140]  }
0x45: {  	v10 =	vld [tilespmem:$0x50]  }
0x46: {  	v11 =	vld [tilespmem:$0x150]  }
0x47: {  	v12 =	vld [tilespmem:$0x60]  }
0x48: {  	v13 =	vld [tilespmem:$0x160]  }
0x49: {  	v14 =	vld [tilespmem:$0x70]  }
0x4a: {  	v15 =	vld [tilespmem:$0x170]  }
0x4b: {  	v16 =	vld [tilespmem:$0x80]  }
0x4c: {  	v17 =	vld [tilespmem:$0x180]  }
0x4d: {  	v18 =	vld [tilespmem:$0x90]  }
0x4e: {  	v19 =	vld [tilespmem:$0x190]  }
0x4f: {  	v20 =	vld [tilespmem:$0xA0];
	v1 =	vshll.u32 v1, $0x3  }
0x50: {  	v59 =	vld [tilespmem:$0x1A0];
	v58 =	vshll.u32 v3, $0x3;
	v0 =	vadd.s32 v1, v57  }
0x51: {  	v61 =	vld [tilespmem:$0xB0];
	v60 =	vshll.u32 v5, $0x3;
	v1 =	vadd.s32 v58, v2;
	v0 =	vadd.s32 $0xFFFFFFC0, v0  }
0x52: {  	v22 =	vld [tilespmem:$0x1B0];
	v21 =	vshll.u32 v7, $0x3;
	v63 =	vadd.s32 v60, v4;
	v62 =	vadd.s32 $0xFFFFFFC0, v1;
	[tilespmem:$0x300] =	vst v0  }
0x53: {  	v26 =	vld [tilespmem:$0xC0];
	v25 =	vshll.u32 v9, $0x3;
	v24 =	vadd.s32 v21, v6;
	v23 =	vadd.s32 $0xFFFFFFC0, v63;
	[tilespmem:$0x310] =	vst v62  }
0x54: {  	v30 =	vld [tilespmem:$0x1C0];
	v29 =	vshll.u32 v11, $0x3;
	v28 =	vadd.s32 v25, v8;
	v27 =	vadd.s32 $0xFFFFFFC0, v24;
	[tilespmem:$0x320] =	vst v23  }
0x55: {  	v34 =	vld [tilespmem:$0xD0];
	v33 =	vshll.u32 v13, $0x3;
	v32 =	vadd.s32 v29, v10;
	v31 =	vadd.s32 $0xFFFFFFC0, v28;
	[tilespmem:$0x330] =	vst v27  }
0x56: {  	v38 =	vld [tilespmem:$0x1D0];
	v37 =	vshll.u32 v15, $0x3;
	v36 =	vadd.s32 v33, v12;
	v35 =	vadd.s32 $0xFFFFFFC0, v32;
	[tilespmem:$0x340] =	vst v31  }
0x57: {  	v42 =	vld [tilespmem:$0xE0];
	v41 =	vshll.u32 v17, $0x3;
	v40 =	vadd.s32 v37, v14;
	v39 =	vadd.s32 $0xFFFFFFC0, v36;
	[tilespmem:$0x350] =	vst v35  }
0x58: {  	v46 =	vld [tilespmem:$0x1E0];
	v45 =	vshll.u32 v19, $0x3;
	v44 =	vadd.s32 v41, v16;
	v43 =	vadd.s32 $0xFFFFFFC0, v40;
	[tilespmem:$0x360] =	vst v39  }
0x59: {  	v50 =	vld [tilespmem:$0x1F0];
	v49 =	vshll.u32 v59, $0x3;
	v48 =	vadd.s32 v45, v18;
	v47 =	vadd.s32 $0xFFFFFFC0, v44;
	[tilespmem:$0x370] =	vst v43  }
0x5a: {  	v54 =	vld [tilespmem:$0xF0];
	v53 =	vshll.u32 v22, $0x3;
	v52 =	vadd.s32 v49, v20;
	v51 =	vadd.s32 $0xFFFFFFC0, v48;
	[tilespmem:$0x380] =	vst v47  }
0x5b: {  	v56 =	vshll.u32 v30, $0x3;
	v55 =	vadd.s32 v53, v61;
	v1 =	vadd.s32 $0xFFFFFFC0, v52;
	[tilespmem:$0x390] =	vst v51  }
0x5c: {  	v57 =	vadd.s32 v56, v26;
	v58 =	vshll.u32 v38, $0x3;
	[tilespmem:$0x3A0] =	vst v1;
	v0 =	vadd.s32 $0xFFFFFFC0, v55  }
0x5d: {  	v60 =	vshll.u32 v46, $0x3;
	v59 =	vadd.s32 v58, v34;
	v1 =	vadd.s32 $0xFFFFFFC0, v57;
	[tilespmem:$0x3B0] =	vst v0  }
0x5e: {  	v61 =	vadd.s32 v60, v42;
	v62 =	vshll.u32 v50, $0x3;
	[tilespmem:$0x3C0] =	vst v1;
	v0 =	vadd.s32 $0xFFFFFFC0, v59  }
0x5f: {  	v63 =	vadd.s32 v62, v54;
	v1 =	vadd.s32 $0xFFFFFFC0, v61;
	[tilespmem:$0x3D0] =	vst v0  }
0x60: {  	[tilespmem:$0x3E0] =	vst v1;
	v0 =	vadd.s32 $0xFFFFFFC0, v63  }
0x61: {  	s26 =	simm.s32 $0x80;
	s8 =	simm.s32 $0x300;
	[tilespmem:$0x3F0] =	vst v0  }
0x62: {  	[spmem:s2] =	stream.indirect.scatter.add.f32 [tilespmem:s21], [sflag:$0x1], $0x1, s8, s26, $0xb8;
	[tilespmem:$0x620] =	vst v63  }
0x63: {  	s28 =	simm.s32 $0x380;
	s29 =	simm.s32 $0x280  }
0x64: {  	[spmem:s2] =	stream.indirect.scatter.add.f32 [tilespmem:s29], [sflag:$0x2], $0x1, s28, s26, $0xb8;
	[tilespmem:$0x620] =	vst v63  }
0x65: {  	_ =	swait.ge [sflag:s24], $0x80  }
0x66: {  	[sflag:s24] =	ssyncset.done $0x0  }
0x67: {  	[sflag:s24] =	ssyncadd.s32 $0xFFFFFF80  }
0x68: {  	_ =	swait.ge [sflag:s25], $0x80  }
0x69: {  	[sflag:s25] =	ssyncset.done $0x0  }
0x6a: {  	s30 =	sshrl.u32 s2, $0x3;
	s31 =	simm.s32 $0x1C04;
	[sflag:s25] =	ssyncadd.s32 $0xFFFFFF80  }
0x6b: {  	[hbm:s1], [sflag:s31] =	dma.local [spmem:s30], $0x40  }
0x6c: {  	_ =	swait.ge [sflag:s23], $0x40  }
0x6d: {  	[sflag:s23] =	ssyncset.done $0x0  }
0x6e: {  	[sflag:s23] =	ssyncadd.s32 $0xFFFFFFC0  }
0x6f: {  	_ =	sfence.sel $0x180000  }
0x70: {  	[bflag:$0x0] =	sbarrier.arrive $0xFFFF  }
0x71: {  	_ =	strace $0x90000047  }
0x72: {  	s0 =	sadd.s32 $0x100000, s0;
	[bflag:$0x2] =	sbarrier.arrive $0xFFFF  }
0x73: {  	[sflag:s0] =	ssyncadd.tile.s32 $0x1;
	_ =	shalt  }
.Lfunc_end2:
_tile_overlayer_lowered:
.L_overlay_start_2:
0x74: {  	(tag) =	ssettag $0x2  }
0x75: {  	s0 =	rddreg [dreg:$0x0];
	s2 =	stileid.u32  }
0x76: {  	s1 =	rddreg [dreg:$0x1];
	p0 =	sne.s32 s2, $0x0  }
0x77: {  	s3 =	rddreg [dreg:$0x2];
	[bflag:$0x3] =	sbarrier.arrive $0xFFFF;
	s2 =	simm.s32 @!p0 $0x1C04  }
0x78: {  	[timem:s3], [sflag:s2] =	dma.local @!p0 [hbm:s0], s1  }
0x79: {  	s0 =	simm.s32 @!p0 $0x4  }
0x7a: {  	_ =	swait.ge @!p0 [sflag:s0], s1  }
0x7b: {  	s1 =	ssub.s32 @!p0 $0x0, s1;
	[sflag:s0] =	ssyncset.done @!p0 $0x0  }
0x7c: {  	[sflag:s0] =	ssyncadd.s32 @!p0 s1  }
0x7d: {  	[bflag:$0x3] =	sbarrier.arrive $0xFFFF  }
0x7e: {  	_ =	shalt  }

</sc_bundles>
